<compile_context>
chip_gen: v7x
topology: tpu7x:2x2x1
jax: 0.10.2.dev20260603
libtpu: 0.0.44.dev20260713+nightly
codegen_flags: <defaults>
</compile_context>

<pallas_src>
import functools

import jax
import jax.numpy as jnp
from jax import lax
from jax.experimental import pallas as pl
from jax.experimental.pallas import tpu as pltpu
from jax.experimental.pallas import tpu_sc as plsc

_POS_LEN = 19
_PL1 = _POS_LEN + 1
_NUM_HIST = 5
_HW = 361
_PAD_IDX = _PL1 * _PL1 - 1
_BL = 1024
_BN = 1024


def _argmax_body(x_ref, re_ref, ce_ref, comb_ref, table_ref):
    i = pl.program_id(0)

    @pl.when(i == 0)
    def _build_table():
        p = lax.broadcasted_iota(jnp.int32, (_PL1 * _PL1, _PL1), 0)
        e = lax.broadcasted_iota(jnp.int32, (_PL1 * _PL1, _PL1), 1)
        pr = (p * 410) >> 13
        oh_r = (pr == e).astype(jnp.float32)
        oh_c = (p - pr * _PL1 == e).astype(jnp.float32)
        t_r = jnp.dot(oh_r, re_ref[...], preferred_element_type=jnp.float32)
        t_c = jnp.dot(oh_c, ce_ref[...], preferred_element_type=jnp.float32)
        table_ref[...] = jnp.concatenate([t_r, t_c], axis=-1)

    v = x_ref[...]
    s = jnp.sum(jnp.sum(v, axis=0), axis=0)
    m = jnp.max(jnp.max(v, axis=0), axis=0)
    fid = (lax.broadcasted_iota(jnp.int32, v.shape, 0) * 19
           + lax.broadcasted_iota(jnp.int32, v.shape, 1))
    cand = jnp.where(v == m[None, None], fid, jnp.int32(512))
    idx = jnp.min(jnp.min(cand, axis=0), axis=0)
    has = s > 0.5
    rows = (idx * 27) >> 9
    cols = idx - rows * 19
    comb = jnp.where(has, rows * _PL1 + cols, _PAD_IDX)
    comb_ref[...] = comb[1:1 + _NUM_HIST, :]


def _extract_indices(z, row_embed, col_embed):
    n = z.shape[3]
    return pl.pallas_call(
        _argmax_body,
        grid=(n // _BL,),
        in_specs=[
            pl.BlockSpec((_POS_LEN, _POS_LEN, 8, _BL), lambda i: (0, 0, 1, i)),
            pl.BlockSpec((_PL1, 64), lambda i: (0, 0)),
            pl.BlockSpec((_PL1, 64), lambda i: (0, 0)),
        ],
        out_specs=[
            pl.BlockSpec((_NUM_HIST, _BL), lambda i: (0, i)),
            pl.BlockSpec((_PL1 * _PL1, 128), lambda i: (0, 0)),
        ],
        out_shape=[
            jax.ShapeDtypeStruct((_NUM_HIST, n), jnp.int32),
            jax.ShapeDtypeStruct((_PL1 * _PL1, 128), jnp.float32),
        ],
    )(z, row_embed, col_embed)


def _sc_gather(table, idx):
    info = plsc.get_sparse_core_info()
    nw = info.num_cores * info.num_subcores
    n = idx.shape[0]
    rpw = n // nw
    cpw = rpw // 128
    d = table.shape[1]
    mesh = plsc.VectorSubcoreMesh(core_axis_name="c", subcore_axis_name="s")

    @functools.partial(
        pl.kernel,
        mesh=mesh,
        out_type=jax.ShapeDtypeStruct((n, d), jnp.float32),
        scratch_types=[
            pltpu.VMEM((rpw,), jnp.int32),
            pltpu.VMEM((rpw, d), jnp.float32),
            pltpu.SemaphoreType.DMA,
        ],
    )
    def gather_kernel(table_hbm, idx_hbm, out_hbm, idx_v, rows_v, gsem):
        wid = lax.axis_index("s") * info.num_cores + lax.axis_index("c")
        base = wid * rpw
        pltpu.sync_copy(idx_hbm.at[pl.ds(base, rpw)], idx_v)
        gathers = [
            pltpu.async_copy(table_hbm.at[idx_v.at[pl.ds(j * 128, 128)]],
                             rows_v.at[pl.ds(j * 128, 128)], gsem)
            for j in range(cpw)
        ]
        for g in gathers:
            g.wait()
        pltpu.sync_copy(rows_v, out_hbm.at[pl.ds(base, rpw)])

    return gather_kernel(table, idx)


def _mlp_body(e_ref, w1_ref, b1_ref, w2_ref, b2_ref, o_ref):
    acc = None
    for k in range(_NUM_HIST):
        part = lax.dot_general(
            e_ref[k], w1_ref[:, pl.ds(k * 128, 128)],
            (((1,), (1,)), ((), ())), preferred_element_type=jnp.float32)
        acc = part if acc is None else acc + part
    h = jnp.maximum(acc + b1_ref[...], 0.0)
    o_ref[...] = lax.dot_general(
        h, w2_ref[...], (((1,), (1,)), ((), ())),
        preferred_element_type=jnp.float32) + b2_ref[...]


def _mlp(e3, w1, b1, w2, b2):
    n = e3.shape[1]
    hidden = w1.shape[0]
    c_out = w2.shape[0]
    return pl.pallas_call(
        _mlp_body,
        grid=(n // _BN,),
        in_specs=[
            pl.BlockSpec((_NUM_HIST, _BN, 128), lambda i: (0, i, 0)),
            pl.BlockSpec((hidden, _NUM_HIST * 128), lambda i: (0, 0)),
            pl.BlockSpec((1, hidden), lambda i: (0, 0)),
            pl.BlockSpec((c_out, hidden), lambda i: (0, 0)),
            pl.BlockSpec((1, c_out), lambda i: (0, 0)),
        ],
        out_specs=pl.BlockSpec((_BN, c_out), lambda i: (i, 0)),
        out_shape=jax.ShapeDtypeStruct((n, c_out), jnp.float32),
    )(e3, w1, b1, w2, b2)


def kernel(input_spatial, trunk_out, row_embed, col_embed, W1, b1, W2, b2):
    n = input_spatial.shape[0]
    z = jnp.transpose(input_spatial, (2, 3, 1, 0))
    comb2, table = _extract_indices(z, row_embed, col_embed)
    comb = comb2.reshape(-1)
    emb = _sc_gather(table, comb)
    out = _mlp(emb.reshape(_NUM_HIST, n, 128),
               W1, b1.reshape(1, -1), W2, b2.reshape(1, -1))
    return out[:, :, None, None]

# --- scband reference (transcript-rebuilt; emitter-appended) ---
"""Pipeline reference for scband-move-sequence-embedding-84567906058436 (READ-ONLY COPY).

The authoritative reference and input builder live on the scoring server;
editing this copy changes nothing except your own understanding.
"""

import jax, jax.numpy as jnp
import numpy as np

POS_LEN = 19
C_TRUNK = 384
HIDDEN = 128
NUM_HIST = 5
HIST_CH = (9, 10, 11, 12, 13)


def setup_inputs(seed: int = 0) -> dict:
    key = jax.random.key(seed)
    ks = jax.random.split(key, 8)
    N, C, H, W = 4096, 22, 19, 19
    embed_per = HIDDEN // 2
    input_spatial = jax.random.uniform(ks[0], (N, C, H, W), dtype=jnp.float32)
    trunk_out = jax.random.normal(ks[1], (N, C_TRUNK, H, W), dtype=jnp.float32)
    row_embed = jax.random.normal(ks[2], (POS_LEN + 1, embed_per), dtype=jnp.float32) * 0.02
    row_embed = row_embed.at[POS_LEN].set(0.0)  # padding_idx row
    col_embed = jax.random.normal(ks[3], (POS_LEN + 1, embed_per), dtype=jnp.float32) * 0.02
    col_embed = col_embed.at[POS_LEN].set(0.0)  # padding_idx row
    fan_in1 = HIDDEN * NUM_HIST
    W1 = jax.random.normal(ks[4], (HIDDEN, fan_in1), dtype=jnp.float32) / np.sqrt(fan_in1)
    b1 = jnp.zeros((HIDDEN,), dtype=jnp.float32)
    W2 = jax.random.normal(ks[5], (C_TRUNK, HIDDEN), dtype=jnp.float32) * 0.02
    b2 = jnp.zeros((C_TRUNK,), dtype=jnp.float32)
    return {"input_spatial": input_spatial, "trunk_out": trunk_out,
            "row_embed": row_embed, "col_embed": col_embed,
            "W1": W1, "b1": b1, "W2": W2, "b2": b2}


def reference(input_spatial, trunk_out, row_embed, col_embed, W1, b1, W2, b2):
    N = input_spatial.shape[0]
    W = input_spatial.shape[3]
    ch_idx = jnp.asarray(HIST_CH)
    planes = input_spatial[:, ch_idx, :, :]
    flat = planes.reshape(N, NUM_HIST, -1)
    has_move = flat.sum(axis=-1) > 0.5
    indices = jnp.argmax(flat, axis=-1)
    rows = indices // W
    cols = indices % W
    rows = jnp.where(has_move, rows, -1)
    cols = jnp.where(has_move, cols, -1)
    rows_pad = jnp.where(has_move, rows, POS_LEN)
    cols_pad = jnp.where(has_move, cols, POS_LEN)
    row_emb = jnp.take(row_embed, rows_pad, axis=0)
    col_emb = jnp.take(col_embed, cols_pad, axis=0)
    move_emb = jnp.concatenate([row_emb, col_emb], axis=-1)
    h = move_emb.reshape(N, -1)
    h = jax.nn.relu(h @ W1.T + b1)
    out = h @ W2.T + b2
    return out[:, :, None, None]

if __name__ == "__main__":
    import jax
    _d = setup_inputs()
    print(jax.jit(kernel)(*tuple(_d.values())))

</pallas_src>

<mosaic_0001>
#map = affine_map<(d0, d1) -> (0, 0)>
#map1 = affine_map<(d0, d1) -> (0)>
module attributes {stable_mosaic.version = 14 : i64} {
  func.func @gather_kernel(%arg0: i32, %arg1: i32, %arg2: memref<400x128xf32, #tpu.memory_space<hbm>>, %arg3: memref<20480xi32, #tpu.memory_space<hbm>>, %arg4: memref<20480x128xf32, #tpu.memory_space<hbm>>, %arg5: memref<640xi32, #tpu.memory_space<vmem>>, %arg6: memref<640x128xf32, #tpu.memory_space<vmem>>, %arg7: memref<!tpu.dma_semaphore, #tpu.memory_space<semaphore_mem>>) attributes {dimension_semantics = [#tpu.dimension_semantics<core_parallel>, #tpu.dimension_semantics<subcore_parallel>], iteration_bounds = array<i64: 2, 16>, scalar_prefetch = 0 : i64, scratch_operands = 3 : i64, tpu.core_type = #tpu.core_type<sc_vector_subcore>, window_params = [{transform_indices = #map}, {transform_indices = #map1}, {transform_indices = #map}]} {
    %mul3A = arith.constant 2 : i32
    %mul3A_0 = arith.muli %arg1, %mul3A : i32
    %add3A = arith.addi %mul3A_0, %arg0 : i32
    %mul3A_1 = arith.constant 640 : i32
    %mul3A_2 = arith.muli %add3A, %mul3A_1 : i32
    "tpu.region"() ({
      %run_scoped3A = tpu.sem_alloc : memref<!tpu.dma_semaphore, #tpu.memory_space<semaphore_mem>>
      %dma_start3A_81 = tpu.memref_slice %arg3[%mul3A_2] : memref<20480xi32, #tpu.memory_space<hbm>> -> memref<640xi32, #tpu.memory_space<hbm>>
      %dma_start3A_82 = tpu.memref_slice %arg3[%mul3A_2] : memref<20480xi32, #tpu.memory_space<hbm>> -> memref<640xi32, #tpu.memory_space<hbm>>
      tpu.enqueue_dma source(%dma_start3A_82 : memref<640xi32, #tpu.memory_space<hbm>>) target(%arg5 : memref<640xi32, #tpu.memory_space<vmem>>) target_semaphore(%run_scoped3A : memref<!tpu.dma_semaphore, #tpu.memory_space<semaphore_mem>>)
      %dma_wait3A_83 = tpu.memref_slice %arg3[%mul3A_2] : memref<20480xi32, #tpu.memory_space<hbm>> -> memref<640xi32, #tpu.memory_space<hbm>>
      %dma_wait3A_84 = tpu.memref_slice %arg3[%mul3A_2] : memref<20480xi32, #tpu.memory_space<hbm>> -> memref<640xi32, #tpu.memory_space<hbm>>
      tpu.wait_dma2 semaphore(%run_scoped3A : memref<!tpu.dma_semaphore, #tpu.memory_space<semaphore_mem>>) src(%dma_wait3A_84 : memref<640xi32, #tpu.memory_space<hbm>>) dst(%arg5 : memref<640xi32, #tpu.memory_space<vmem>>)
      tpu.yield
    }) : () -> ()
    %dma_start3A = arith.constant 0 : i32
    %dma_start3A_3 = arith.constant 0 : i32
    %dma_start3A_4 = tpu.memref_slice %arg6[%dma_start3A, %dma_start3A_3] : memref<640x128xf32, #tpu.memory_space<vmem>> -> memref<128x128xf32, #tpu.memory_space<vmem>>
    %dma_start3A_5 = arith.constant 0 : i32
    %dma_start3A_6 = tpu.memref_slice %arg5[%dma_start3A_5] : memref<640xi32, #tpu.memory_space<vmem>> -> memref<128xi32, #tpu.memory_space<vmem>>
    %dma_start3A_7 = arith.constant 0 : i32
    %dma_start3A_8 = arith.constant 0 : i32
    %dma_start3A_9 = tpu.memref_slice %arg2[%dma_start3A_7, %dma_start3A_8] : memref<400x128xf32, #tpu.memory_space<hbm>> -> memref<400x128xf32, #tpu.memory_space<hbm>>
    tpu.enqueue_indirect_dma source(%dma_start3A_9 : memref<400x128xf32, #tpu.memory_space<hbm>>) target(%dma_start3A_4 : memref<128x128xf32, #tpu.memory_space<vmem>>) offsets(%dma_start3A_6 : memref<128xi32, #tpu.memory_space<vmem>>) semaphore(%arg7 : memref<!tpu.dma_semaphore, #tpu.memory_space<semaphore_mem>>)
    %dma_start3A_10 = arith.constant 128 : i32
    %dma_start3A_11 = arith.constant 0 : i32
    %dma_start3A_12 = tpu.memref_slice %arg6[%dma_start3A_10, %dma_start3A_11] : memref<640x128xf32, #tpu.memory_space<vmem>> -> memref<128x128xf32, #tpu.memory_space<vmem>>
    %dma_start3A_13 = arith.constant 128 : i32
    %dma_start3A_14 = tpu.memref_slice %arg5[%dma_start3A_13] : memref<640xi32, #tpu.memory_space<vmem>> -> memref<128xi32, #tpu.memory_space<vmem>>
    %dma_start3A_15 = arith.constant 0 : i32
    %dma_start3A_16 = arith.constant 0 : i32
    %dma_start3A_17 = tpu.memref_slice %arg2[%dma_start3A_15, %dma_start3A_16] : memref<400x128xf32, #tpu.memory_space<hbm>> -> memref<400x128xf32, #tpu.memory_space<hbm>>
    tpu.enqueue_indirect_dma source(%dma_start3A_17 : memref<400x128xf32, #tpu.memory_space<hbm>>) target(%dma_start3A_12 : memref<128x128xf32, #tpu.memory_space<vmem>>) offsets(%dma_start3A_14 : memref<128xi32, #tpu.memory_space<vmem>>) semaphore(%arg7 : memref<!tpu.dma_semaphore, #tpu.memory_space<semaphore_mem>>)
    %dma_start3A_18 = arith.constant 256 : i32
    %dma_start3A_19 = arith.constant 0 : i32
    %dma_start3A_20 = tpu.memref_slice %arg6[%dma_start3A_18, %dma_start3A_19] : memref<640x128xf32, #tpu.memory_space<vmem>> -> memref<128x128xf32, #tpu.memory_space<vmem>>
    %dma_start3A_21 = arith.constant 256 : i32
    %dma_start3A_22 = tpu.memref_slice %arg5[%dma_start3A_21] : memref<640xi32, #tpu.memory_space<vmem>> -> memref<128xi32, #tpu.memory_space<vmem>>
    %dma_start3A_23 = arith.constant 0 : i32
    %dma_start3A_24 = arith.constant 0 : i32
    %dma_start3A_25 = tpu.memref_slice %arg2[%dma_start3A_23, %dma_start3A_24] : memref<400x128xf32, #tpu.memory_space<hbm>> -> memref<400x128xf32, #tpu.memory_space<hbm>>
    tpu.enqueue_indirect_dma source(%dma_start3A_25 : memref<400x128xf32, #tpu.memory_space<hbm>>) target(%dma_start3A_20 : memref<128x128xf32, #tpu.memory_space<vmem>>) offsets(%dma_start3A_22 : memref<128xi32, #tpu.memory_space<vmem>>) semaphore(%arg7 : memref<!tpu.dma_semaphore, #tpu.memory_space<semaphore_mem>>)
    %dma_start3A_26 = arith.constant 384 : i32
    %dma_start3A_27 = arith.constant 0 : i32
    %dma_start3A_28 = tpu.memref_slice %arg6[%dma_start3A_26, %dma_start3A_27] : memref<640x128xf32, #tpu.memory_space<vmem>> -> memref<128x128xf32, #tpu.memory_space<vmem>>
    %dma_start3A_29 = arith.constant 384 : i32
    %dma_start3A_30 = tpu.memref_slice %arg5[%dma_start3A_29] : memref<640xi32, #tpu.memory_space<vmem>> -> memref<128xi32, #tpu.memory_space<vmem>>
    %dma_start3A_31 = arith.constant 0 : i32
    %dma_start3A_32 = arith.constant 0 : i32
    %dma_start3A_33 = tpu.memref_slice %arg2[%dma_start3A_31, %dma_start3A_32] : memref<400x128xf32, #tpu.memory_space<hbm>> -> memref<400x128xf32, #tpu.memory_space<hbm>>
    tpu.enqueue_indirect_dma source(%dma_start3A_33 : memref<400x128xf32, #tpu.memory_space<hbm>>) target(%dma_start3A_28 : memref<128x128xf32, #tpu.memory_space<vmem>>) offsets(%dma_start3A_30 : memref<128xi32, #tpu.memory_space<vmem>>) semaphore(%arg7 : memref<!tpu.dma_semaphore, #tpu.memory_space<semaphore_mem>>)
    %dma_start3A_34 = arith.constant 512 : i32
    %dma_start3A_35 = arith.constant 0 : i32
    %dma_start3A_36 = tpu.memref_slice %arg6[%dma_start3A_34, %dma_start3A_35] : memref<640x128xf32, #tpu.memory_space<vmem>> -> memref<128x128xf32, #tpu.memory_space<vmem>>
    %dma_start3A_37 = arith.constant 512 : i32
    %dma_start3A_38 = tpu.memref_slice %arg5[%dma_start3A_37] : memref<640xi32, #tpu.memory_space<vmem>> -> memref<128xi32, #tpu.memory_space<vmem>>
    %dma_start3A_39 = arith.constant 0 : i32
    %dma_start3A_40 = arith.constant 0 : i32
    %dma_start3A_41 = tpu.memref_slice %arg2[%dma_start3A_39, %dma_start3A_40] : memref<400x128xf32, #tpu.memory_space<hbm>> -> memref<400x128xf32, #tpu.memory_space<hbm>>
    tpu.enqueue_indirect_dma source(%dma_start3A_41 : memref<400x128xf32, #tpu.memory_space<hbm>>) target(%dma_start3A_36 : memref<128x128xf32, #tpu.memory_space<vmem>>) offsets(%dma_start3A_38 : memref<128xi32, #tpu.memory_space<vmem>>) semaphore(%arg7 : memref<!tpu.dma_semaphore, #tpu.memory_space<semaphore_mem>>)
    %dma_wait3A = arith.constant 0 : i32
    %dma_wait3A_42 = arith.constant 0 : i32
    %dma_wait3A_43 = tpu.memref_slice %arg6[%dma_wait3A, %dma_wait3A_42] : memref<640x128xf32, #tpu.memory_space<vmem>> -> memref<128x128xf32, #tpu.memory_space<vmem>>
    %dma_wait3A_44 = arith.constant 0 : i32
    %dma_wait3A_45 = tpu.memref_slice %arg5[%dma_wait3A_44] : memref<640xi32, #tpu.memory_space<vmem>> -> memref<128xi32, #tpu.memory_space<vmem>>
    %dma_wait3A_46 = arith.constant 0 : i32
    %dma_wait3A_47 = arith.constant 0 : i32
    %dma_wait3A_48 = tpu.memref_slice %arg2[%dma_wait3A_46, %dma_wait3A_47] : memref<400x128xf32, #tpu.memory_space<hbm>> -> memref<400x128xf32, #tpu.memory_space<hbm>>
    tpu.wait_indirect_dma semaphore(%arg7 : memref<!tpu.dma_semaphore, #tpu.memory_space<semaphore_mem>>) src(%dma_wait3A_48 : memref<400x128xf32, #tpu.memory_space<hbm>>) dst(%dma_wait3A_43 : memref<128x128xf32, #tpu.memory_space<vmem>>)
    %dma_wait3A_49 = arith.constant 128 : i32
    %dma_wait3A_50 = arith.constant 0 : i32
    %dma_wait3A_51 = tpu.memref_slice %arg6[%dma_wait3A_49, %dma_wait3A_50] : memref<640x128xf32, #tpu.memory_space<vmem>> -> memref<128x128xf32, #tpu.memory_space<vmem>>
    %dma_wait3A_52 = arith.constant 128 : i32
    %dma_wait3A_53 = tpu.memref_slice %arg5[%dma_wait3A_52] : memref<640xi32, #tpu.memory_space<vmem>> -> memref<128xi32, #tpu.memory_space<vmem>>
    %dma_wait3A_54 = arith.constant 0 : i32
    %dma_wait3A_55 = arith.constant 0 : i32
    %dma_wait3A_56 = tpu.memref_slice %arg2[%dma_wait3A_54, %dma_wait3A_55] : memref<400x128xf32, #tpu.memory_space<hbm>> -> memref<400x128xf32, #tpu.memory_space<hbm>>
    tpu.wait_indirect_dma semaphore(%arg7 : memref<!tpu.dma_semaphore, #tpu.memory_space<semaphore_mem>>) src(%dma_wait3A_56 : memref<400x128xf32, #tpu.memory_space<hbm>>) dst(%dma_wait3A_51 : memref<128x128xf32, #tpu.memory_space<vmem>>)
    %dma_wait3A_57 = arith.constant 256 : i32
    %dma_wait3A_58 = arith.constant 0 : i32
    %dma_wait3A_59 = tpu.memref_slice %arg6[%dma_wait3A_57, %dma_wait3A_58] : memref<640x128xf32, #tpu.memory_space<vmem>> -> memref<128x128xf32, #tpu.memory_space<vmem>>
    %dma_wait3A_60 = arith.constant 256 : i32
    %dma_wait3A_61 = tpu.memref_slice %arg5[%dma_wait3A_60] : memref<640xi32, #tpu.memory_space<vmem>> -> memref<128xi32, #tpu.memory_space<vmem>>
    %dma_wait3A_62 = arith.constant 0 : i32
    %dma_wait3A_63 = arith.constant 0 : i32
    %dma_wait3A_64 = tpu.memref_slice %arg2[%dma_wait3A_62, %dma_wait3A_63] : memref<400x128xf32, #tpu.memory_space<hbm>> -> memref<400x128xf32, #tpu.memory_space<hbm>>
    tpu.wait_indirect_dma semaphore(%arg7 : memref<!tpu.dma_semaphore, #tpu.memory_space<semaphore_mem>>) src(%dma_wait3A_64 : memref<400x128xf32, #tpu.memory_space<hbm>>) dst(%dma_wait3A_59 : memref<128x128xf32, #tpu.memory_space<vmem>>)
    %dma_wait3A_65 = arith.constant 384 : i32
    %dma_wait3A_66 = arith.constant 0 : i32
    %dma_wait3A_67 = tpu.memref_slice %arg6[%dma_wait3A_65, %dma_wait3A_66] : memref<640x128xf32, #tpu.memory_space<vmem>> -> memref<128x128xf32, #tpu.memory_space<vmem>>
    %dma_wait3A_68 = arith.constant 384 : i32
    %dma_wait3A_69 = tpu.memref_slice %arg5[%dma_wait3A_68] : memref<640xi32, #tpu.memory_space<vmem>> -> memref<128xi32, #tpu.memory_space<vmem>>
    %dma_wait3A_70 = arith.constant 0 : i32
    %dma_wait3A_71 = arith.constant 0 : i32
    %dma_wait3A_72 = tpu.memref_slice %arg2[%dma_wait3A_70, %dma_wait3A_71] : memref<400x128xf32, #tpu.memory_space<hbm>> -> memref<400x128xf32, #tpu.memory_space<hbm>>
    tpu.wait_indirect_dma semaphore(%arg7 : memref<!tpu.dma_semaphore, #tpu.memory_space<semaphore_mem>>) src(%dma_wait3A_72 : memref<400x128xf32, #tpu.memory_space<hbm>>) dst(%dma_wait3A_67 : memref<128x128xf32, #tpu.memory_space<vmem>>)
    %dma_wait3A_73 = arith.constant 512 : i32
    %dma_wait3A_74 = arith.constant 0 : i32
    %dma_wait3A_75 = tpu.memref_slice %arg6[%dma_wait3A_73, %dma_wait3A_74] : memref<640x128xf32, #tpu.memory_space<vmem>> -> memref<128x128xf32, #tpu.memory_space<vmem>>
    %dma_wait3A_76 = arith.constant 512 : i32
    %dma_wait3A_77 = tpu.memref_slice %arg5[%dma_wait3A_76] : memref<640xi32, #tpu.memory_space<vmem>> -> memref<128xi32, #tpu.memory_space<vmem>>
    %dma_wait3A_78 = arith.constant 0 : i32
    %dma_wait3A_79 = arith.constant 0 : i32
    %dma_wait3A_80 = tpu.memref_slice %arg2[%dma_wait3A_78, %dma_wait3A_79] : memref<400x128xf32, #tpu.memory_space<hbm>> -> memref<400x128xf32, #tpu.memory_space<hbm>>
    tpu.wait_indirect_dma semaphore(%arg7 : memref<!tpu.dma_semaphore, #tpu.memory_space<semaphore_mem>>) src(%dma_wait3A_80 : memref<400x128xf32, #tpu.memory_space<hbm>>) dst(%dma_wait3A_75 : memref<128x128xf32, #tpu.memory_space<vmem>>)
    "tpu.region"() ({
      %run_scoped3A = tpu.sem_alloc : memref<!tpu.dma_semaphore, #tpu.memory_space<semaphore_mem>>
      %dma_start3A_81 = arith.constant 0 : i32
      %dma_start3A_82 = tpu.memref_slice %arg4[%mul3A_2, %dma_start3A_81] : memref<20480x128xf32, #tpu.memory_space<hbm>> -> memref<640x128xf32, #tpu.memory_space<hbm>>
      %dma_start3A_83 = arith.constant 0 : i32
      %dma_start3A_84 = tpu.memref_slice %arg4[%mul3A_2, %dma_start3A_83] : memref<20480x128xf32, #tpu.memory_space<hbm>> -> memref<640x128xf32, #tpu.memory_space<hbm>>
      tpu.enqueue_dma source(%arg6 : memref<640x128xf32, #tpu.memory_space<vmem>>) target(%dma_start3A_84 : memref<640x128xf32, #tpu.memory_space<hbm>>) target_semaphore(%run_scoped3A : memref<!tpu.dma_semaphore, #tpu.memory_space<semaphore_mem>>)
      %dma_wait3A_85 = arith.constant 0 : i32
      %dma_wait3A_86 = tpu.memref_slice %arg4[%mul3A_2, %dma_wait3A_85] : memref<20480x128xf32, #tpu.memory_space<hbm>> -> memref<640x128xf32, #tpu.memory_space<hbm>>
      %dma_wait3A_87 = arith.constant 0 : i32
      %dma_wait3A_88 = tpu.memref_slice %arg4[%mul3A_2, %dma_wait3A_87] : memref<20480x128xf32, #tpu.memory_space<hbm>> -> memref<640x128xf32, #tpu.memory_space<hbm>>
      tpu.wait_dma2 semaphore(%run_scoped3A : memref<!tpu.dma_semaphore, #tpu.memory_space<semaphore_mem>>) src(%arg6 : memref<640x128xf32, #tpu.memory_space<vmem>>) dst(%dma_wait3A_88 : memref<640x128xf32, #tpu.memory_space<hbm>>)
      tpu.yield
    }) : () -> ()
    return
  }
}

module attributes {stable_mosaic.version = 14 : i64} {
  func.func @_argmax_body(%arg0: i32, %arg1: memref<19x19x8x1024xf32, #tpu.memory_space<vmem>>, %arg2: memref<20x64xf32, #tpu.memory_space<vmem>>, %arg3: memref<20x64xf32, #tpu.memory_space<vmem>>, %arg4: memref<5x1024xi32, #tpu.memory_space<vmem>>, %arg5: memref<400x128xf32, #tpu.memory_space<vmem>>) attributes {dimension_semantics = [#tpu.dimension_semantics<arbitrary>], iteration_bounds = array<i64: 4>, scalar_prefetch = 0 : i64, scratch_operands = 0 : i64, tpu.core_type = #tpu.core_type<tc>, window_params = [{transform_indices = @transform_0, window_bounds = array<i64: 19, 19, 8, 1024>}, {pipeline_mode = #tpu.pipeline_mode<synchronous>, transform_indices = @transform_1, window_bounds = array<i64: 20, 64>}, {pipeline_mode = #tpu.pipeline_mode<synchronous>, transform_indices = @transform_2, window_bounds = array<i64: 20, 64>}, {transform_indices = @transform_3, window_bounds = array<i64: 5, 1024>}, {pipeline_mode = #tpu.pipeline_mode<synchronous>, transform_indices = @transform_4, window_bounds = array<i64: 400, 128>}]} {
    %eq3A = arith.constant 0 : i32
    %eq3A_0 = arith.cmpi eq, %arg0, %eq3A : i32
    %convert_element_type3A = arith.extui %eq3A_0 : i1 to i32
    %cond3A = arith.constant 0 : i32
    %cond3A_1 = arith.cmpi ne, %convert_element_type3A, %cond3A : i32
    scf.if %cond3A_1 {
      %iota3A_40 = tpu.iota {dimensions = array<i32: 0>} : vector<400x20xi32>
      %iota3A_41 = tpu.iota {dimensions = array<i32: 1>} : vector<400x20xi32>
      %mul3A_42 = arith.constant 410 : i32
      %mul3A_43 = vector.broadcast %mul3A_42 : i32 to vector<400x20xi32>
      %mul3A_44 = arith.muli %iota3A_40, %mul3A_43 : vector<400x20xi32>
      %shift_right_arithmetic3A_45 = arith.constant 13 : i32
      %shift_right_arithmetic3A_46 = vector.broadcast %shift_right_arithmetic3A_45 : i32 to vector<400x20xi32>
      %shift_right_arithmetic3A_47 = arith.shrsi %mul3A_44, %shift_right_arithmetic3A_46 : vector<400x20xi32>
      %eq3A_48 = arith.cmpi eq, %shift_right_arithmetic3A_47, %iota3A_41 : vector<400x20xi32>
      %convert_element_type3A_49 = arith.extui %eq3A_48 : vector<400x20xi1> to vector<400x20xi32>
      %convert_element_type3A_50 = arith.sitofp %convert_element_type3A_49 : vector<400x20xi32> to vector<400x20xf32>
      %mul3A_51 = arith.constant 20 : i32
      %mul3A_52 = vector.broadcast %mul3A_51 : i32 to vector<400x20xi32>
      %mul3A_53 = arith.muli %shift_right_arithmetic3A_47, %mul3A_52 : vector<400x20xi32>
      %sub3A_54 = arith.subi %iota3A_40, %mul3A_53 : vector<400x20xi32>
      %eq3A_55 = arith.cmpi eq, %sub3A_54, %iota3A_41 : vector<400x20xi32>
      %convert_element_type3A_56 = arith.extui %eq3A_55 : vector<400x20xi1> to vector<400x20xi32>
      %convert_element_type3A_57 = arith.sitofp %convert_element_type3A_56 : vector<400x20xi32> to vector<400x20xf32>
      %get3A_58 = arith.constant 0 : index
      %get3A_59 = arith.constant 0 : index
      %get3A_60 = vector.load %arg2[%get3A_58, %get3A_59] : memref<20x64xf32, #tpu.memory_space<vmem>>, vector<20x64xf32>
      %dot_general3A = arith.constant dense<0.000000e+00> : vector<400x64xf32>
      %dot_general3A_61 = tpu.matmul %convert_element_type3A_50, %get3A_60, %dot_general3A {dimension_numbers = #tpu.dot_dimension_numbers<[1], [0], [0], [1], [0, 0, 1, 1], [], []>, transpose_lhs_hint = false} : vector<400x20xf32>, vector<20x64xf32>, vector<400x64xf32> -> vector<400x64xf32>
      %get3A_62 = arith.constant 0 : index
      %get3A_63 = arith.constant 0 : index
      %get3A_64 = vector.load %arg3[%get3A_62, %get3A_63] : memref<20x64xf32, #tpu.memory_space<vmem>>, vector<20x64xf32>
      %dot_general3A_65 = arith.constant dense<0.000000e+00> : vector<400x64xf32>
      %dot_general3A_66 = tpu.matmul %convert_element_type3A_57, %get3A_64, %dot_general3A_65 {dimension_numbers = #tpu.dot_dimension_numbers<[1], [0], [0], [1], [0, 0, 1, 1], [], []>, transpose_lhs_hint = false} : vector<400x20xf32>, vector<20x64xf32>, vector<400x64xf32> -> vector<400x64xf32>
      %concatenate3A = tpu.concatenate %dot_general3A_61, %dot_general3A_66 in 1 : vector<400x64xf32>, vector<400x64xf32> -> vector<400x128xf32>
      %swap3A_67 = arith.constant 0 : index
      %swap3A_68 = arith.constant 0 : index
      %swap3A_69 = vector.load %arg5[%swap3A_67, %swap3A_68] : memref<400x128xf32, #tpu.memory_space<vmem>>, vector<400x128xf32>
      tpu.vector_store %arg5[%swap3A_67, %swap3A_68], %concatenate3A {strides = array<i32>} : memref<400x128xf32, #tpu.memory_space<vmem>>, vector<400x128xf32>,
    } else {
    }
    %get3A = arith.constant 0 : index
    %get3A_2 = arith.constant 0 : index
    %get3A_3 = arith.constant 0 : index
    %get3A_4 = arith.constant 0 : index
    %get3A_5 = vector.load %arg1[%get3A, %get3A_2, %get3A_3, %get3A_4] : memref<19x19x8x1024xf32, #tpu.memory_space<vmem>>, vector<19x19x8x1024xf32>
    %reduce_sum3A = arith.constant dense<0.000000e+00> : vector<19x8x1024xf32>
    %reduce_sum3A_6 = vector.multi_reduction <add>, %get3A_5, %reduce_sum3A [0] : vector<19x19x8x1024xf32> to vector<19x8x1024xf32>
    %reduce_sum3A_7 = arith.constant dense<0.000000e+00> : vector<8x1024xf32>
    %reduce_sum3A_8 = vector.multi_reduction <add>, %reduce_sum3A_6, %reduce_sum3A_7 [0] : vector<19x8x1024xf32> to vector<8x1024xf32>
    %reduce_max3A = arith.constant dense<0xFF800000> : vector<19x8x1024xf32>
    %reduce_max3A_9 = vector.multi_reduction <maximumf>, %get3A_5, %reduce_max3A [0] : vector<19x19x8x1024xf32> to vector<19x8x1024xf32>
    %reduce_max3A_10 = arith.constant dense<0xFF800000> : vector<8x1024xf32>
    %reduce_max3A_11 = vector.multi_reduction <maximumf>, %reduce_max3A_9, %reduce_max3A_10 [0] : vector<19x8x1024xf32> to vector<8x1024xf32>
    %iota3A = tpu.iota {dimensions = array<i32: 0>} : vector<19x19x8x1024xi32>
    %mul3A = arith.constant 19 : i32
    %mul3A_12 = vector.broadcast %mul3A : i32 to vector<19x19x8x1024xi32>
    %mul3A_13 = arith.muli %iota3A, %mul3A_12 : vector<19x19x8x1024xi32>
    %iota3A_14 = tpu.iota {dimensions = array<i32: 1>} : vector<19x19x8x1024xi32>
    %add3A = arith.addi %mul3A_13, %iota3A_14 : vector<19x19x8x1024xi32>
    %broadcast_in_dim3A = vector.shape_cast %reduce_max3A_11 : vector<8x1024xf32> to vector<1x1x8x1024xf32>
    %eq3A_15 = vector.broadcast %broadcast_in_dim3A : vector<1x1x8x1024xf32> to vector<19x19x8x1024xf32>
    %eq3A_16 = arith.cmpf oeq, %get3A_5, %eq3A_15 : vector<19x19x8x1024xf32>
    %jit3A = arith.constant 512 : i32
    %broadcast_in_dim3A_17 = vector.broadcast %jit3A : i32 to vector<19x19x8x1024xi32>
    %select_n3A = arith.select %eq3A_16, %add3A, %broadcast_in_dim3A_17 : vector<19x19x8x1024xi1>, vector<19x19x8x1024xi32>
    %reduce_min3A = arith.constant dense<2147483647> : vector<19x8x1024xi32>
    %reduce_min3A_18 = vector.multi_reduction <minsi>, %select_n3A, %reduce_min3A [0] : vector<19x19x8x1024xi32> to vector<19x8x1024xi32>
    %reduce_min3A_19 = arith.constant dense<2147483647> : vector<8x1024xi32>
    %reduce_min3A_20 = vector.multi_reduction <minsi>, %reduce_min3A_18, %reduce_min3A_19 [0] : vector<19x8x1024xi32> to vector<8x1024xi32>
    %gt3A = arith.constant 5.000000e-01 : f32
    %gt3A_21 = vector.broadcast %gt3A : f32 to vector<8x1024xf32>
    %gt3A_22 = arith.cmpf ogt, %reduce_sum3A_8, %gt3A_21 : vector<8x1024xf32>
    %mul3A_23 = arith.constant 27 : i32
    %mul3A_24 = vector.broadcast %mul3A_23 : i32 to vector<8x1024xi32>
    %mul3A_25 = arith.muli %reduce_min3A_20, %mul3A_24 : vector<8x1024xi32>
    %shift_right_arithmetic3A = arith.constant 9 : i32
    %shift_right_arithmetic3A_26 = vector.broadcast %shift_right_arithmetic3A : i32 to vector<8x1024xi32>
    %shift_right_arithmetic3A_27 = arith.shrsi %mul3A_25, %shift_right_arithmetic3A_26 : vector<8x1024xi32>
    %mul3A_28 = arith.constant 19 : i32
    %mul3A_29 = vector.broadcast %mul3A_28 : i32 to vector<8x1024xi32>
    %mul3A_30 = arith.muli %shift_right_arithmetic3A_27, %mul3A_29 : vector<8x1024xi32>
    %sub3A = arith.subi %reduce_min3A_20, %mul3A_30 : vector<8x1024xi32>
    %mul3A_31 = arith.constant 20 : i32
    %mul3A_32 = vector.broadcast %mul3A_31 : i32 to vector<8x1024xi32>
    %mul3A_33 = arith.muli %shift_right_arithmetic3A_27, %mul3A_32 : vector<8x1024xi32>
    %add3A_34 = arith.addi %mul3A_33, %sub3A : vector<8x1024xi32>
    %jit3A_35 = arith.constant 399 : i32
    %broadcast_in_dim3A_36 = vector.broadcast %jit3A_35 : i32 to vector<8x1024xi32>
    %select_n3A_37 = arith.select %gt3A_22, %add3A_34, %broadcast_in_dim3A_36 : vector<8x1024xi1>, vector<8x1024xi32>
    %slice3A = vector.extract_strided_slice %select_n3A_37 {offsets = [1, 0], sizes = [5, 1024], strides = [1, 1]} : vector<8x1024xi32> to vector<5x1024xi32>
    %swap3A = arith.constant 0 : index
    %swap3A_38 = arith.constant 0 : index
    %swap3A_39 = vector.load %arg4[%swap3A, %swap3A_38] : memref<5x1024xi32, #tpu.memory_space<vmem>>, vector<5x1024xi32>
    tpu.vector_store %arg4[%swap3A, %swap3A_38], %slice3A {strides = array<i32>} : memref<5x1024xi32, #tpu.memory_space<vmem>>, vector<5x1024xi32>,
    return
  }
  func.func @transform_0(%arg0: i32) -> (i32, i32, i32, i32) {
    %c0_i32 = arith.constant 0 : i32
    %c0_i32_0 = arith.constant 0 : i32
    %c1_i32 = arith.constant 1 : i32
    %c0_i32_1 = arith.constant 0 : i32
    return %c0_i32, %c0_i32_0, %c1_i32, %arg0 : i32, i32, i32, i32
  }
  func.func @transform_1(%arg0: i32) -> (i32, i32) {
    %c0_i32 = arith.constant 0 : i32
    %c0_i32_0 = arith.constant 0 : i32
    %c0_i32_1 = arith.constant 0 : i32
    return %c0_i32, %c0_i32_0 : i32, i32
  }
  func.func @transform_2(%arg0: i32) -> (i32, i32) {
    %c0_i32 = arith.constant 0 : i32
    %c0_i32_0 = arith.constant 0 : i32
    %c0_i32_1 = arith.constant 0 : i32
    return %c0_i32, %c0_i32_0 : i32, i32
  }
  func.func @transform_3(%arg0: i32) -> (i32, i32) {
    %c0_i32 = arith.constant 0 : i32
    %c0_i32_0 = arith.constant 0 : i32
    return %c0_i32, %arg0 : i32, i32
  }
  func.func @transform_4(%arg0: i32) -> (i32, i32) {
    %c0_i32 = arith.constant 0 : i32
    %c0_i32_0 = arith.constant 0 : i32
    %c0_i32_1 = arith.constant 0 : i32
    return %c0_i32, %c0_i32_0 : i32, i32
  }
}

module attributes {stable_mosaic.version = 14 : i64} {
  func.func @_mlp_body(%arg0: i32, %arg1: memref<5x1024x128xf32, #tpu.memory_space<vmem>>, %arg2: memref<128x640xf32, #tpu.memory_space<vmem>>, %arg3: memref<1x128xf32, #tpu.memory_space<vmem>>, %arg4: memref<384x128xf32, #tpu.memory_space<vmem>>, %arg5: memref<1x384xf32, #tpu.memory_space<vmem>>, %arg6: memref<1024x384xf32, #tpu.memory_space<vmem>>) attributes {dimension_semantics = [#tpu.dimension_semantics<arbitrary>], iteration_bounds = array<i64: 4>, scalar_prefetch = 0 : i64, scratch_operands = 0 : i64, tpu.core_type = #tpu.core_type<tc>, window_params = [{transform_indices = @transform_0, window_bounds = array<i64: 5, 1024, 128>}, {pipeline_mode = #tpu.pipeline_mode<synchronous>, transform_indices = @transform_1, window_bounds = array<i64: 128, 640>}, {pipeline_mode = #tpu.pipeline_mode<synchronous>, transform_indices = @transform_2, window_bounds = array<i64: 1, 128>}, {pipeline_mode = #tpu.pipeline_mode<synchronous>, transform_indices = @transform_3, window_bounds = array<i64: 384, 128>}, {pipeline_mode = #tpu.pipeline_mode<synchronous>, transform_indices = @transform_4, window_bounds = array<i64: 1, 384>}, {transform_indices = @transform_5, window_bounds = array<i64: 1024, 384>}]} {
    %get3A = arith.constant 0 : index
    %get3A_0 = arith.constant 0 : index
    %get3A_1 = arith.constant 0 : index
    %get3A_2 = vector.load %arg1[%get3A, %get3A_0, %get3A_1] : memref<5x1024x128xf32, #tpu.memory_space<vmem>>, vector<1x1024x128xf32>
    %get3A_3 = vector.shape_cast %get3A_2 : vector<1x1024x128xf32> to vector<1024x128xf32>
    %get3A_4 = arith.constant 0 : index
    %get3A_5 = arith.constant 0 : index
    %get3A_6 = vector.load %arg2[%get3A_4, %get3A_5] : memref<128x640xf32, #tpu.memory_space<vmem>>, vector<128x128xf32>
    %dot_general3A = arith.constant dense<0.000000e+00> : vector<1024x128xf32>
    %dot_general3A_7 = tpu.matmul %get3A_3, %get3A_6, %dot_general3A {dimension_numbers = #tpu.dot_dimension_numbers<[1], [1], [0], [0], [0, 0, 1, 0], [], []>, transpose_lhs_hint = false} : vector<1024x128xf32>, vector<128x128xf32>, vector<1024x128xf32> -> vector<1024x128xf32>
    %get3A_8 = arith.constant 1 : index
    %get3A_9 = arith.constant 0 : index
    %get3A_10 = arith.constant 0 : index
    %get3A_11 = vector.load %arg1[%get3A_8, %get3A_9, %get3A_10] : memref<5x1024x128xf32, #tpu.memory_space<vmem>>, vector<1x1024x128xf32>
    %get3A_12 = vector.shape_cast %get3A_11 : vector<1x1024x128xf32> to vector<1024x128xf32>
    %get3A_13 = arith.constant 0 : index
    %get3A_14 = arith.constant 128 : index
    %get3A_15 = vector.load %arg2[%get3A_13, %get3A_14] : memref<128x640xf32, #tpu.memory_space<vmem>>, vector<128x128xf32>
    %dot_general3A_16 = arith.constant dense<0.000000e+00> : vector<1024x128xf32>
    %dot_general3A_17 = tpu.matmul %get3A_12, %get3A_15, %dot_general3A_16 {dimension_numbers = #tpu.dot_dimension_numbers<[1], [1], [0], [0], [0, 0, 1, 0], [], []>, transpose_lhs_hint = false} : vector<1024x128xf32>, vector<128x128xf32>, vector<1024x128xf32> -> vector<1024x128xf32>
    %add3A = arith.addf %dot_general3A_7, %dot_general3A_17 : vector<1024x128xf32>
    %get3A_18 = arith.constant 2 : index
    %get3A_19 = arith.constant 0 : index
    %get3A_20 = arith.constant 0 : index
    %get3A_21 = vector.load %arg1[%get3A_18, %get3A_19, %get3A_20] : memref<5x1024x128xf32, #tpu.memory_space<vmem>>, vector<1x1024x128xf32>
    %get3A_22 = vector.shape_cast %get3A_21 : vector<1x1024x128xf32> to vector<1024x128xf32>
    %get3A_23 = arith.constant 0 : index
    %get3A_24 = arith.constant 256 : index
    %get3A_25 = vector.load %arg2[%get3A_23, %get3A_24] : memref<128x640xf32, #tpu.memory_space<vmem>>, vector<128x128xf32>
    %dot_general3A_26 = arith.constant dense<0.000000e+00> : vector<1024x128xf32>
    %dot_general3A_27 = tpu.matmul %get3A_22, %get3A_25, %dot_general3A_26 {dimension_numbers = #tpu.dot_dimension_numbers<[1], [1], [0], [0], [0, 0, 1, 0], [], []>, transpose_lhs_hint = false} : vector<1024x128xf32>, vector<128x128xf32>, vector<1024x128xf32> -> vector<1024x128xf32>
    %add3A_28 = arith.addf %add3A, %dot_general3A_27 : vector<1024x128xf32>
    %get3A_29 = arith.constant 3 : index
    %get3A_30 = arith.constant 0 : index
    %get3A_31 = arith.constant 0 : index
    %get3A_32 = vector.load %arg1[%get3A_29, %get3A_30, %get3A_31] : memref<5x1024x128xf32, #tpu.memory_space<vmem>>, vector<1x1024x128xf32>
    %get3A_33 = vector.shape_cast %get3A_32 : vector<1x1024x128xf32> to vector<1024x128xf32>
    %get3A_34 = arith.constant 0 : index
    %get3A_35 = arith.constant 384 : index
    %get3A_36 = vector.load %arg2[%get3A_34, %get3A_35] : memref<128x640xf32, #tpu.memory_space<vmem>>, vector<128x128xf32>
    %dot_general3A_37 = arith.constant dense<0.000000e+00> : vector<1024x128xf32>
    %dot_general3A_38 = tpu.matmul %get3A_33, %get3A_36, %dot_general3A_37 {dimension_numbers = #tpu.dot_dimension_numbers<[1], [1], [0], [0], [0, 0, 1, 0], [], []>, transpose_lhs_hint = false} : vector<1024x128xf32>, vector<128x128xf32>, vector<1024x128xf32> -> vector<1024x128xf32>
    %add3A_39 = arith.addf %add3A_28, %dot_general3A_38 : vector<1024x128xf32>
    %get3A_40 = arith.constant 4 : index
    %get3A_41 = arith.constant 0 : index
    %get3A_42 = arith.constant 0 : index
    %get3A_43 = vector.load %arg1[%get3A_40, %get3A_41, %get3A_42] : memref<5x1024x128xf32, #tpu.memory_space<vmem>>, vector<1x1024x128xf32>
    %get3A_44 = vector.shape_cast %get3A_43 : vector<1x1024x128xf32> to vector<1024x128xf32>
    %get3A_45 = arith.constant 0 : index
    %get3A_46 = arith.constant 512 : index
    %get3A_47 = vector.load %arg2[%get3A_45, %get3A_46] : memref<128x640xf32, #tpu.memory_space<vmem>>, vector<128x128xf32>
    %dot_general3A_48 = arith.constant dense<0.000000e+00> : vector<1024x128xf32>
    %dot_general3A_49 = tpu.matmul %get3A_44, %get3A_47, %dot_general3A_48 {dimension_numbers = #tpu.dot_dimension_numbers<[1], [1], [0], [0], [0, 0, 1, 0], [], []>, transpose_lhs_hint = false} : vector<1024x128xf32>, vector<128x128xf32>, vector<1024x128xf32> -> vector<1024x128xf32>
    %add3A_50 = arith.addf %add3A_39, %dot_general3A_49 : vector<1024x128xf32>
    %get3A_51 = arith.constant 0 : index
    %get3A_52 = arith.constant 0 : index
    %get3A_53 = vector.load %arg3[%get3A_51, %get3A_52] : memref<1x128xf32, #tpu.memory_space<vmem>>, vector<1x128xf32>
    %add3A_54 = vector.broadcast %get3A_53 : vector<1x128xf32> to vector<1024x128xf32>
    %add3A_55 = arith.addf %add3A_50, %add3A_54 : vector<1024x128xf32>
    %max3A = arith.constant 0.000000e+00 : f32
    %max3A_56 = vector.broadcast %max3A : f32 to vector<1024x128xf32>
    %max3A_57 = arith.maximumf %add3A_55, %max3A_56 : vector<1024x128xf32>
    %get3A_58 = arith.constant 0 : index
    %get3A_59 = arith.constant 0 : index
    %get3A_60 = vector.load %arg4[%get3A_58, %get3A_59] : memref<384x128xf32, #tpu.memory_space<vmem>>, vector<384x128xf32>
    %dot_general3A_61 = arith.constant dense<0.000000e+00> : vector<1024x384xf32>
    %dot_general3A_62 = tpu.matmul %max3A_57, %get3A_60, %dot_general3A_61 {dimension_numbers = #tpu.dot_dimension_numbers<[1], [1], [0], [0], [0, 0, 1, 0], [], []>, transpose_lhs_hint = false} : vector<1024x128xf32>, vector<384x128xf32>, vector<1024x384xf32> -> vector<1024x384xf32>
    %get3A_63 = arith.constant 0 : index
    %get3A_64 = arith.constant 0 : index
    %get3A_65 = vector.load %arg5[%get3A_63, %get3A_64] : memref<1x384xf32, #tpu.memory_space<vmem>>, vector<1x384xf32>
    %add3A_66 = vector.broadcast %get3A_65 : vector<1x384xf32> to vector<1024x384xf32>
    %add3A_67 = arith.addf %dot_general3A_62, %add3A_66 : vector<1024x384xf32>
    %swap3A = arith.constant 0 : index
    %swap3A_68 = arith.constant 0 : index
    %swap3A_69 = vector.load %arg6[%swap3A, %swap3A_68] : memref<1024x384xf32, #tpu.memory_space<vmem>>, vector<1024x384xf32>
    tpu.vector_store %arg6[%swap3A, %swap3A_68], %add3A_67 {strides = array<i32>} : memref<1024x384xf32, #tpu.memory_space<vmem>>, vector<1024x384xf32>,
    return
  }
  func.func @transform_0(%arg0: i32) -> (i32, i32, i32) {
    %c0_i32 = arith.constant 0 : i32
    %c0_i32_0 = arith.constant 0 : i32
    %c0_i32_1 = arith.constant 0 : i32
    return %c0_i32, %arg0, %c0_i32_0 : i32, i32, i32
  }
  func.func @transform_1(%arg0: i32) -> (i32, i32) {
    %c0_i32 = arith.constant 0 : i32
    %c0_i32_0 = arith.constant 0 : i32
    %c0_i32_1 = arith.constant 0 : i32
    return %c0_i32, %c0_i32_0 : i32, i32
  }
  func.func @transform_2(%arg0: i32) -> (i32, i32) {
    %c0_i32 = arith.constant 0 : i32
    %c0_i32_0 = arith.constant 0 : i32
    %c0_i32_1 = arith.constant 0 : i32
    return %c0_i32, %c0_i32_0 : i32, i32
  }
  func.func @transform_3(%arg0: i32) -> (i32, i32) {
    %c0_i32 = arith.constant 0 : i32
    %c0_i32_0 = arith.constant 0 : i32
    %c0_i32_1 = arith.constant 0 : i32
    return %c0_i32, %c0_i32_0 : i32, i32
  }
  func.func @transform_4(%arg0: i32) -> (i32, i32) {
    %c0_i32 = arith.constant 0 : i32
    %c0_i32_0 = arith.constant 0 : i32
    %c0_i32_1 = arith.constant 0 : i32
    return %c0_i32, %c0_i32_0 : i32, i32
  }
  func.func @transform_5(%arg0: i32) -> (i32, i32) {
    %c0_i32 = arith.constant 0 : i32
    %c0_i32_0 = arith.constant 0 : i32
    return %arg0, %c0_i32 : i32, i32
  }
}

</mosaic_0001>

<sc_bundles>
// kernel: kernel.5.cloned.1.call-start
scs
__scs_entry_jumppad:
0x0: {  	(pc) =	sbr.rel $0x88, $3  }
0x1: {  	(tag) =	ssettag $0x0;
	lr =	simm.s32 $0x1  }
0x2: {  	[smem:$0x3F9A] =	sst lr;
	_ =	strace $0xD0000000  }
0x3: {  	_ = 	snop  }
0x4: {  	_ = 	snop  }
0x5: {  	_ = 	snop  }
0x6: {  	_ = 	snop  }
0x7: {  	_ = 	snop  }
__scs_overlays_trampoline_lowered:
0x8: {  	[smem:$0x3FA9] =	sst s0  }
0x9: {  	[smem:$0x3FAA] =	sst s1  }
0xa: {  	[smem:$0x3FAB] =	sst s2  }
0xb: {  	[smem:$0x3FAC] =	sst s3  }
0xc: {  	[smem:$0x3FAD] =	sst s4  }
0xd: {  	[smem:$0x3FAE] =	sst s5  }
0xe: {  	[smem:$0x3FAF] =	sst s6  }
0xf: {  	[smem:$0x3FB0] =	sst s7  }
0x10: {  	[smem:$0x3FB1] =	sst s8  }
0x11: {  	[smem:$0x3FB2] =	sst s9;
	s0 =	simm.s32 @!p0 $0x0  }
0x12: {  	s1 =	sld [smem:$0x3F98];
	s0 =	simm.s32 @p0 $0x1  }
0x13: {  	[smem:$0x3FB3] =	sst s0;
	s0 =	simm.s32 @!p1 $0x0  }
0x14: {  	s2 =	sld [smem:$0x3F97];
	s0 =	simm.s32 @p1 $0x1  }
0x15: {  	[smem:$0x3FB4] =	sst s0;
	s0 =	simm.s32 @!p2 $0x0  }
0x16: {  	s3 =	sld [smem:$0x3FDB];
	s0 =	simm.s32 @p2 $0x1  }
0x17: {  	s4 =	simm.s32 $0x1BF5;
	[smem:$0x3FB6] =	sst s0  }
0x18: {  	s0 =	sld [smem:$0x3F99];
	_ =	swait.ge [sflag:s4], $0x0  }
0x19: {  	s7 =	sld [smem:$0x3F9A]  }
0x1a: {  	s8 =	sadd.s32 $0xFFFFE003, lr  }
0x1b: {  	s9 =	sadd.s32 $0xFFFFFEF7, lr;
	s5 =	simm.s32 $0xFFFFFFFF;
	p2 =	slt.u32 s8, $0xFFFFF086  }
0x1c: {  	p1 =	slt.u32 s9, $0xF7A;
	s5 =	simm.s32 @!p2 $0x0  }
0x1d: {  	s5 =	simm.s32 @p1 $0x1;
	p0 =	seq.s32 s7, s2  }
0x1e: {  	s7 =	smul.u32 @!p0 $0xF7A, s2;
	p2 =	seq.s32 @!p0 s5, $0x0  }
0x1f: {  	s9 =	smul.u32 $0xF7A, s1;
	s8 =	simm.s32 @!p0 $0x1BF5;
	p2 =	por !p2, p0  }
0x20: {  	[sflag:s8] =	ssyncset.s32 @!p0 $0xFFFFF086;
	s6 =	sadd.s32 @!p0 s3, s7;
	s7 =	simm.s32 @!p0 $0x108  }
0x21: {  	s3 =	sadd.s32 s3, s9;
	s6 =	sadd.s32 @!p0 $0x88, s6;
	s7 =	simm.s32 @p2 $0x1082  }
0x22: {  	[simem:s7], [sflag:s8] =	dma.local @!p0 [hbm:s6], $0xF7A  }
0x23: {  	s9 =	sor.u32 $0xD0000000, s2;
	s6 =	simm.s32 $0x108;
	_ =	swait.ge @!p0 [sflag:s8], $0x0  }
0x24: {  	s3 =	sadd.s32 $0x88, s3;
	s6 =	simm.s32 @!p1 $0x1082;
	[sflag:s4] =	ssyncset.s32 $0xFFFFF086  }
0x25: {  	[simem:s6], [sflag:s4] =	dma.local [hbm:s3], $0xF7A  }
0x26: {  	[smem:$0x3F9A] =	sst s1;
	(tag) =	ssettag s2;
	_ =	strace s9  }
0x27: {  	s1 =	sld [smem:$0x3FAA]  }
0x28: {  	s2 =	sld [smem:$0x3FAB]  }
0x29: {  	s4 =	sld [smem:$0x3FAD]  }
0x2a: {  	p0 =	seq.s32 s5, $0x0;
	s5 =	sld [smem:$0x3FAE]  }
0x2b: {  	s6 =	sld [smem:$0x3FAF]  }
0x2c: {  	s7 =	sld [smem:$0x3FB0]  }
0x2d: {  	s3 =	simm.s32 $0x108;
	s8 =	sld [smem:$0x3FB1]  }
0x2e: {  	s3 =	simm.s32 @!p0 $0x1082;
	s9 =	sld [smem:$0x3FB2]  }
0x2f: {  	lr =	sadd.s32 s0, s3;
	s0 =	sld [smem:$0x3FA9]  }
0x30: {  	s3 =	sld [smem:$0x3FAC]  }
0x31: {  	[smem:$0x3FB5] =	sst s10  }
0x32: {  	s10 =	sld [smem:$0x3FB3];
	_ =	sdelay $0x3  }
0x33: {  	p0 =	seq.s32 s10, $0x1;
	s10 =	sld [smem:$0x3FB5];
	_ =	sdelay $0x3  }
0x34: {  	[smem:$0x3FB5] =	sst s10  }
0x35: {  	s10 =	sld [smem:$0x3FB4];
	_ =	sdelay $0x3  }
0x36: {  	p1 =	seq.s32 s10, $0x1;
	s10 =	sld [smem:$0x3FB5];
	_ =	sdelay $0x3  }
0x37: {  	[smem:$0x3FB5] =	sst s10  }
0x38: {  	s10 =	sld [smem:$0x3FB6]  }
0x39: {  	_ = 	snop;
	(pc) =	sbr.ind lr, $3  }
0x3a: {  	_ = 	snop  }
0x3b: {  	_ = 	snop  }
0x3c: {  	p2 =	seq.s32 s10, $0x1;
	s10 =	sld [smem:$0x3FB5]  }
0x3d: {  	_ =	shalt  }
0x3e: {  	_ =	shalt  }
0x3f: {  	_ =	shalt  }
0x40: {  	_ =	shalt  }
0x41: {  	_ =	shalt  }
0x42: {  	_ =	shalt  }
0x43: {  	_ =	shalt  }
0x44: {  	_ =	shalt  }
0x45: {  	_ =	shalt  }
0x46: {  	_ =	shalt  }
0x47: {  	_ =	shalt  }
0x48: {  	_ =	shalt  }
0x49: {  	_ =	shalt  }
0x4a: {  	_ =	shalt  }
0x4b: {  	_ =	shalt  }
0x4c: {  	_ =	shalt  }
0x4d: {  	_ =	shalt  }
0x4e: {  	_ =	shalt  }
0x4f: {  	_ =	shalt  }
0x50: {  	_ =	shalt  }
0x51: {  	_ =	shalt  }
0x52: {  	_ =	shalt  }
0x53: {  	_ =	shalt  }
0x54: {  	_ =	shalt  }
0x55: {  	_ =	shalt  }
0x56: {  	_ =	shalt  }
0x57: {  	_ =	shalt  }
0x58: {  	_ =	shalt  }
0x59: {  	_ =	shalt  }
0x5a: {  	_ =	shalt  }
0x5b: {  	_ =	shalt  }
0x5c: {  	_ =	shalt  }
0x5d: {  	_ =	shalt  }
0x5e: {  	_ =	shalt  }
0x5f: {  	_ =	shalt  }
0x60: {  	_ =	shalt  }
0x61: {  	_ =	shalt  }
0x62: {  	_ =	shalt  }
0x63: {  	_ =	shalt  }
0x64: {  	_ =	shalt  }
0x65: {  	_ =	shalt  }
0x66: {  	_ =	shalt  }
0x67: {  	_ =	shalt  }
0x68: {  	_ =	shalt  }
0x69: {  	_ =	shalt  }
0x6a: {  	_ =	shalt  }
0x6b: {  	_ =	shalt  }
0x6c: {  	_ =	shalt  }
0x6d: {  	_ =	shalt  }
0x6e: {  	_ =	shalt  }
0x6f: {  	_ =	shalt  }
0x70: {  	_ =	shalt  }
0x71: {  	_ =	shalt  }
0x72: {  	_ =	shalt  }
0x73: {  	_ =	shalt  }
0x74: {  	_ =	shalt  }
0x75: {  	_ =	shalt  }
0x76: {  	_ =	shalt  }
0x77: {  	_ =	shalt  }
0x78: {  	_ =	shalt  }
0x79: {  	_ =	shalt  }
0x7a: {  	_ =	shalt  }
0x7b: {  	_ =	shalt  }
0x7c: {  	_ =	shalt  }
0x7d: {  	_ =	shalt  }
0x7e: {  	_ =	shalt  }
0x7f: {  	_ =	shalt  }
0x80: {  	_ =	shalt  }
0x81: {  	_ =	shalt  }
0x82: {  	_ =	shalt  }
0x83: {  	_ =	shalt  }
0x84: {  	_ =	shalt  }
0x85: {  	_ =	shalt  }
0x86: {  	_ =	shalt  }
0x87: {  	_ =	shalt  }
.Lfunc_end0:
.L_simem_size_0:
called_computation_lowered:
.L_overlay_start_0:
0x88: {  	s2 =	sld [smem:$0x3FD9]  }
0x89: {  	s3 =	sld [smem:$0x3FFE];
	_ =	sdelay $0x1  }
0x8a: {  	s1 =	srdreg.scid  }
0x8b: {  	s0 =	sand.u32 $0x1, s1  }
0x8c: {  	s17 =	sshll.u32 s0, $0xA;
	s2 =	sadd.s32 s3, s2  }
0x8d: {  	s2 =	sadd.s32 s2, s17  }
0x8e: {  	[smem:$0x3FC1] =	sst s2  }
0x8f: {  	_ = 	snop  }
0x90: {  	s2 =	sld [smem:$0x3FD0];
	(tm) =	ssettm $0x1  }
0x91: {  	s18 =	sld [smem:$0x3FFB];
	_ =	sdelay $0x3  }
0x92: {  	_ =	strace s18  }
0x93: {  	s3 =	sld [smem:$0x3FFC];
	_ =	sdelay $0x3  }
0x94: {  	_ =	strace s3  }
0x95: {  	s3 =	sld [smem:$0x3FFD];
	_ =	sdelay $0x3  }
0x96: {  	_ =	strace s3  }
0x97: {  	_ =	strace $0x8FFFFFFF  }
0x98: {  	s19 =	sld [smem:$0x3FDB];
	_ =	sdelay $0x1  }
0x99: {  	s4 =	simm.s32 $_scs_section_size  }
0x9a: {  	s5 =	simm.s32 $_size__tile_overlayer_lowered;
	s6 =	simm.s32 $_tile_overlayer_lowered  }
0x9b: {  	s22 =	simm.s32 $0x1BFF;
	s21 =	sshll.u32 s6, $0x1;
	s3 =	sadd.s32 s4, s19  }
0x9c: {  	s7 =	simm.s32 $0x0;
	s20 =	sshll.u32 s5, $0x1;
	s5 =	sadd.s32 s21, s3  }
0x9d: {  	[timem:s7], [sflag:s22] =	dma.local [hbm:s5], s20  }
0x9e: {  	_ =	swait.ge [sflag:s22], s20  }
0x9f: {  	s4 =	ssub.s32 $0x0, s20;
	[sflag:s22] =	ssyncset.done $0x0  }
0xa0: {  	[sflag:s22] =	ssyncadd.s32 s4;
	_ =	sdelay $0x1  }
0xa1: {  	s23 =	simm.s32 $0x1B8B  }
0xa2: {  	_ =	swait.ge [sflag:s23], $0x1  }
0xa3: {  	[sflag:s23] =	ssyncset.done $0x0  }
0xa4: {  	s25 =	simm.s32 $0x1B8E;
	s24 =	sld [smem:$0x3FFE];
	[sflag:s23] =	ssyncadd.s32 $0xFFFFFFFF  }
0xa5: {  	s26 =	simm.s32 $execute0_lowered;
	[smem:$0x3FD2] =	sst s25  }
0xa6: {  	s5 =	sshll.u32 s26, $0x1;
	_ =	strace $0x80000046;
	[dreg:$0x1] =	wrdreg $0xFFFFFFFF  }
0xa7: {  	s28 =	simm.s32 $_size_execute0_lowered;
	s3 =	sadd.s32 s3, s5;
	[dreg:$0x0] =	wrdreg $0x0  }
0xa8: {  	s5 =	sshll.u32 s28, $0x1;
	[dreg:$0x2] =	wrdreg s3  }
0xa9: {  	[dreg:$0x3] =	wrdreg s5  }
0xaa: {  	[dreg:$0x4] =	wrdreg $0xC0  }
0xab: {  	_ =	task [dreg:s7], $0x5FFFF  }
0xac: {  	[dreg:$0x1] =	wrdreg $0xFFFFFFFF  }
0xad: {  	[dreg:$0x0] =	wrdreg $0x60  }
0xae: {  	[dreg:$0x2] =	wrdreg s2  }
0xaf: {  	[dreg:$0x3] =	wrdreg s24  }
0xb0: {  	[dreg:$0x4] =	wrdreg $0x9  }
0xb1: {  	_ =	task.clear_ibuf [dreg:s7], $0x5FFFF;
	_ =	strace $0x90000046  }
0xb2: {  	s29 =	simm.s32 $0x9;
	_ =	strace $0x80000048  }
0xb3: {  	_ =	swait.ge [sflag:s29], $0x1  }
0xb4: {  	[sflag:s29] =	ssyncadd.s32 $0xFFFFFFFF  }
0xb5: {  	_ =	strace $0x90000048  }
0xb6: {  	_ =	sfence  }
0xb7: {  	s30 =	sld [smem:$0x0];
	_ =	sdelay $0x2  }
0xb8: {  	s31 =	sshll.u32 s1, $0xD;
	s1 =	sshrl.u32 s1, $0x2  }
0xb9: {  	s3 =	sand.u32 $0x4000, s31;
	s1 =	sadd.s32 s1, s30  }
0xba: {  	s0 =	sor.u32 s3, s0;
	s1 =	sshll.u32 s1, $0x11  }
0xbb: {  	s0 =	sor.u32 s1, s0  }
0xbc: {  	s0 =	sadd.s32 $0x8F2B, s0  }
0xbd: {  	[sflag:s0] =	ssyncadd.remote.s32 $0x1  }
0xbe: {  	_ =	sfence.sel $0xFFFF  }
0xbf: {  	[dreg:$0x0] =	wrdreg $0xFFFFFFFF;
	(pc) =	sbr.abs _section_cstart, $3  }
0xc0: {  	[dreg:$0x1] =	wrdreg $0xFFFFFFFF  }
0xc1: {  	_ =	task.clear_ibuf [dreg:s7], $0x2FFFF;
	_ =	strace $0x9FFFFFFF  }
0xc2: {  	(tm) =	ssettm $0x7FFFFFFF  }
0xc3: {  	_ =	shalt  }
tec
execute0_lowered:
.L_overlay_start_1:
0x0: {  	(tag) =	ssettag $0x1  }
0x1: {  	s1 =	srdreg.scid;
	s0 =	stileid.u32  }
0x2: {  	s16 =	sand.u32 $0x1, s1;
	s29 =	sshll.u32 s0, $0x1  }
0x3: {  	s2 =	rddreg [dreg:$0x0];
	s17 =	sor.u32 s16, s29  }
0x4: {  	s18 =	rddreg [dreg:$0x1];
	s4 =	smul.u32 $0x50, s17  }
0x5: {  	s3 =	simm.s32 $0x0;
	s1 =	rddreg [dreg:$0x2]  }
0x6: {  	[smem:$0x7FF] =	sst s3;
	s4 =	sadd.s32 s4, s18  }
0x7: {  	_ =	strace $0x80000047;
	s5 =	sadd.s32 $0x1600, s4;
	s4 =	simm.s32 $0x2  }
0x8: {  	[tilespmem:s3], [sflag:$0x2] =	stream.linear.gather [hbm4b:s5+s3], $0x280, $0x38;
	[tilespmem:$0x14280] =	vst v63  }
0x9: {  	_ =	swait.ge [sflag:s4], $0x280  }
0xa: {  	[sflag:s4] =	ssyncset.done $0x0  }
0xb: {  	s6 =	simm.s32 $0x80;
	s7 =	simm.s32 $0x280;
	[sflag:s4] =	ssyncadd.s32 $0xFFFFFD80  }
0xc: {  	[tilespmem:s7], [sflag:$0x1] =	stream.indirect.gather [hbm4b:s2+s6], $0x80, s3, s6, $0xb8;
	[tilespmem:$0x14280] =	vst v63  }
0xd: {  	s8 =	simm.s32 $0x4280  }
0xe: {  	[tilespmem:s8], [sflag:$0x1] =	stream.indirect.gather [hbm4b:s2+s6], $0x80, s6, s6, $0xb8;
	[tilespmem:$0x14280] =	vst v63  }
0xf: {  	s9 =	simm.s32 $0x100;
	s10 =	simm.s32 $0x8280  }
0x10: {  	[tilespmem:s10], [sflag:$0x1] =	stream.indirect.gather [hbm4b:s2+s6], $0x80, s9, s6, $0xb8;
	[tilespmem:$0x14280] =	vst v63  }
0x11: {  	s11 =	simm.s32 $0x180;
	s12 =	simm.s32 $0xC280  }
0x12: {  	[tilespmem:s12], [sflag:$0x1] =	stream.indirect.gather [hbm4b:s2+s6], $0x80, s11, s6, $0xb8;
	[tilespmem:$0x14280] =	vst v63  }
0x13: {  	s13 =	simm.s32 $0x200;
	s14 =	simm.s32 $0x10280;
	s15 =	simm.s32 $0x1  }
0x14: {  	[tilespmem:s14], [sflag:$0x1] =	stream.indirect.gather [hbm4b:s2+s6], $0x80, s13, s6, $0xb8;
	[tilespmem:$0x14280] =	vst v63  }
0x15: {  	_ =	swait.ge [sflag:s15], $0x4000  }
0x16: {  	[sflag:s15] =	ssyncset.done $0x0  }
0x17: {  	[sflag:s15] =	ssyncadd.s32 $0xFFFFC000  }
0x18: {  	_ =	swait.ge [sflag:s15], $0x4000  }
0x19: {  	[sflag:s15] =	ssyncset.done $0x0  }
0x1a: {  	[sflag:s15] =	ssyncadd.s32 $0xFFFFC000  }
0x1b: {  	_ =	swait.ge [sflag:s15], $0x4000  }
0x1c: {  	[sflag:s15] =	ssyncset.done $0x0  }
0x1d: {  	s16 =	ssub.s32 $0x2, s16;
	[sflag:s15] =	ssyncadd.s32 $0xFFFFC000  }
0x1e: {  	s19 =	sshrl.u32 s16, $0x1;
	_ =	swait.ge [sflag:s15], $0x4000  }
0x1f: {  	s30 =	ssub.s32 s16, s19;
	[sflag:s15] =	ssyncset.done $0x0  }
0x20: {  	s17 =	smul.u32 $0x2800, s17;
	s31 =	smax.u32 s30, $0x1;
	[sflag:s15] =	ssyncadd.s32 $0xFFFFC000  }
0x21: {  	p0 =	sne.s32 s31, $0x1;
	_ =	swait.ge [sflag:s15], $0x4000  }
.Ltmp0:
0x22: {  	s17 =	sadd.s32 s17, s18;
	[sflag:s15] =	ssyncset.done $0x0;
	(pc) =	sbr.rel @!p0 .LBB2_2-.Ltmp0, $4  }
0x23: {  	s16 =	sadd.s32 $0x2000, s17;
	[sflag:s15] =	ssyncadd.s32 $0xFFFFC000  }
0x24: {  	[hbm4b:s16+s3] =	stream.linear.scatter [tilespmem:s7], [sflag:$0x2], $0x14000, $0x38;
	[tilespmem:$0x14280] =	vst v63  }
0x25: {  	_ =	swait.ge [sflag:s4], $0x14000  }
0x26: {  	s17 =	sadd.s32 $0xFFFFFFFF, s31;
	[sflag:s4] =	ssyncset.done $0x0  }
.LBB2_1:
0x27: {  	p0 =	sne.s32 s17, $0x1;
	s17 =	sadd.s32 $0xFFFFFFFF, s17;
	[sflag:s4] =	ssyncadd.s32 $0xFFFEC000  }
0x28: {  	[tilespmem:s3], [sflag:$0x2] =	stream.linear.gather [hbm4b:s5+s3], $0x280, $0x38;
	[tilespmem:$0x14280] =	vst v63  }
0x29: {  	_ =	swait.ge [sflag:s4], $0x280  }
0x2a: {  	[sflag:s4] =	ssyncset.done $0x0  }
0x2b: {  	[sflag:s4] =	ssyncadd.s32 $0xFFFFFD80  }
0x2c: {  	[tilespmem:s7], [sflag:$0x1] =	stream.indirect.gather [hbm4b:s2+s6], $0x80, s3, s6, $0xb8;
	[tilespmem:$0x14280] =	vst v63  }
0x2d: {  	_ = 	snop  }
0x2e: {  	[tilespmem:s8], [sflag:$0x1] =	stream.indirect.gather [hbm4b:s2+s6], $0x80, s6, s6, $0xb8;
	[tilespmem:$0x14280] =	vst v63  }
0x2f: {  	_ = 	snop  }
0x30: {  	[tilespmem:s10], [sflag:$0x1] =	stream.indirect.gather [hbm4b:s2+s6], $0x80, s9, s6, $0xb8;
	[tilespmem:$0x14280] =	vst v63  }
0x31: {  	_ = 	snop  }
0x32: {  	[tilespmem:s12], [sflag:$0x1] =	stream.indirect.gather [hbm4b:s2+s6], $0x80, s11, s6, $0xb8;
	[tilespmem:$0x14280] =	vst v63  }
0x33: {  	_ = 	snop  }
0x34: {  	[tilespmem:s14], [sflag:$0x1] =	stream.indirect.gather [hbm4b:s2+s6], $0x80, s13, s6, $0xb8;
	[tilespmem:$0x14280] =	vst v63  }
0x35: {  	_ =	swait.ge [sflag:s15], $0x4000  }
0x36: {  	[sflag:s15] =	ssyncset.done $0x0  }
0x37: {  	[sflag:s15] =	ssyncadd.s32 $0xFFFFC000  }
0x38: {  	_ =	swait.ge [sflag:s15], $0x4000  }
0x39: {  	[sflag:s15] =	ssyncset.done $0x0  }
0x3a: {  	[sflag:s15] =	ssyncadd.s32 $0xFFFFC000  }
0x3b: {  	_ =	swait.ge [sflag:s15], $0x4000  }
0x3c: {  	[sflag:s15] =	ssyncset.done $0x0  }
0x3d: {  	[sflag:s15] =	ssyncadd.s32 $0xFFFFC000  }
0x3e: {  	_ =	swait.ge [sflag:s15], $0x4000  }
0x3f: {  	[sflag:s15] =	ssyncset.done $0x0  }
0x40: {  	[sflag:s15] =	ssyncadd.s32 $0xFFFFC000  }
0x41: {  	_ =	swait.ge [sflag:s15], $0x4000  }
.Ltmp1:
0x42: {  	[sflag:s15] =	ssyncset.done $0x0;
	(pc) =	sbr.rel @p0 .LBB2_1-.Ltmp1, $4  }
0x43: {  	[sflag:s15] =	ssyncadd.s32 $0xFFFFC000  }
0x44: {  	[hbm4b:s16+s3] =	stream.linear.scatter [tilespmem:s7], [sflag:$0x2], $0x14000, $0x38;
	[tilespmem:$0x14280] =	vst v63  }
0x45: {  	_ =	swait.ge [sflag:s4], $0x14000  }
0x46: {  	[sflag:s4] =	ssyncset.done $0x0  }
.LBB2_2:
0x47: {  	[sflag:s4] =	ssyncadd.s32 $0xFFFEC000  }
0x48: {  	_ =	sfence.sel $0x180000  }
0x49: {  	[bflag:$0x0] =	sbarrier.arrive $0xFFFF  }
0x4a: {  	p0 =	sne.s32 s0, $0x0;
	_ =	strace $0x90000047  }
0x4b: {  	s0 =	sadd.s32 @!p0 $0x100000, s1;
	[bflag:$0x2] =	sbarrier.arrive $0xFFFF  }
0x4c: {  	[sflag:s0] =	ssyncadd.tile.s32 @!p0 $0x1;
	_ =	shalt  }
.Lfunc_end2:
_tile_overlayer_lowered:
.L_overlay_start_2:
0x4d: {  	(tag) =	ssettag $0x2  }
0x4e: {  	s0 =	rddreg [dreg:$0x0];
	s2 =	stileid.u32  }
0x4f: {  	s1 =	rddreg [dreg:$0x1];
	p0 =	sne.s32 s2, $0x0  }
0x50: {  	s3 =	rddreg [dreg:$0x2];
	[bflag:$0x3] =	sbarrier.arrive $0xFFFF;
	s2 =	simm.s32 @!p0 $0x1C02  }
0x51: {  	[timem:s3], [sflag:s2] =	dma.local @!p0 [hbm:s0], s1  }
0x52: {  	s0 =	simm.s32 @!p0 $0x2  }
0x53: {  	_ =	swait.ge @!p0 [sflag:s0], s1  }
0x54: {  	s1 =	ssub.s32 @!p0 $0x0, s1;
	[sflag:s0] =	ssyncset.done @!p0 $0x0  }
0x55: {  	[sflag:s0] =	ssyncadd.s32 @!p0 s1  }
0x56: {  	[bflag:$0x3] =	sbarrier.arrive $0xFFFF  }
0x57: {  	_ =	shalt  }

</sc_bundles>
